<compile_context>
chip_gen: v7x
topology: tpu7x:2x2x1
jax: 0.10.2.dev20260603
libtpu: 0.0.44.dev20260713+nightly
codegen_flags: <defaults>
</compile_context>

<pallas_src>
import functools

import jax
import jax.numpy as jnp
from jax import lax
from jax.experimental import pallas as pl
from jax.experimental.pallas import tpu as pltpu
from jax.experimental.pallas import tpu_sc as plsc

B = 16384
NC, NS = 2, 16
NW = NC * NS
BPW = B // NW
HID = 256
OUT = 256
TB = 4096
NCAT = 32
NBRAND = 328
NTIER = 8


_sc_mesh = plsc.VectorSubcoreMesh(core_axis_name="c", subcore_axis_name="s")


@functools.partial(
    pl.kernel,
    out_type=jax.ShapeDtypeStruct((B, 128), jnp.float32),
    mesh=_sc_mesh,
    scratch_types=[
        pltpu.VMEM((BPW,), jnp.int32),
        pltpu.VMEM((BPW, 128), jnp.float32),
        pltpu.SemaphoreType.DMA,
    ],
)
def _sc_gather(pid, ptab, pe_out, pidx, pe_v, sem):
    wid = lax.axis_index("s") * NC + lax.axis_index("c")
    rows = pl.ds(wid * BPW, BPW)
    pltpu.sync_copy(pid.at[rows], pidx)
    pltpu.async_copy(ptab.at[pidx], pe_v, sem).wait()
    pltpu.sync_copy(pe_v, pe_out.at[rows])


def _one_hot(idcol, n):
    cols = lax.broadcasted_iota(jnp.int32, (TB, n), 1).astype(jnp.float32)
    return jnp.where(idcol == cols, 1.0, 0.0)


def _tc_mlp(pe_ref, f_ref, ctab_ref, btab_ref, ttab_ref,
            w1p_ref, w1c_ref, w1b_ref, w1t_ref, w1f_ref,
            b1_ref, w2_ref, b2_ref, o_ref):
    f = f_ref[...]
    ce = jnp.dot(_one_hot(f[:, 10:11], NCAT), ctab_ref[...],
                 preferred_element_type=jnp.float32)
    be = jnp.dot(_one_hot(f[:, 11:12], NBRAND), btab_ref[...],
                 preferred_element_type=jnp.float32)
    te = jnp.dot(_one_hot(f[:, 12:13], NTIER), ttab_ref[...],
                 preferred_element_type=jnp.float32)
    h = jnp.dot(pe_ref[:, :64], w1p_ref[...], preferred_element_type=jnp.float32)
    h = h + jnp.dot(ce, w1c_ref[...], preferred_element_type=jnp.float32)
    h = h + jnp.dot(be, w1b_ref[...], preferred_element_type=jnp.float32)
    h = h + jnp.dot(te, w1t_ref[...], preferred_element_type=jnp.float32)
    h = h + jnp.dot(f, w1f_ref[...], preferred_element_type=jnp.float32)
    h = jnp.maximum(h + b1_ref[...], 0.0)
    y = jnp.dot(h, w2_ref[...], preferred_element_type=jnp.float32) + b2_ref[...]
    s = jnp.sum(y * y, axis=1, keepdims=True)
    o_ref[...] = y * lax.rsqrt(jnp.maximum(s, 1e-24))


_tc_call = pl.pallas_call(
    _tc_mlp,
    grid=(B // TB,),
    compiler_params=pltpu.CompilerParams(
        allow_input_fusion=[False] + [True] * 12),
    in_specs=[
        pl.BlockSpec((TB, 128), lambda i: (i, 0)),
        pl.BlockSpec((TB, 16), lambda i: (i, 0)),
        pl.BlockSpec((NCAT, 16), lambda i: (0, 0)),
        pl.BlockSpec((NBRAND, 16), lambda i: (0, 0)),
        pl.BlockSpec((NTIER, 8), lambda i: (0, 0)),
        pl.BlockSpec((64, HID), lambda i: (0, 0)),
        pl.BlockSpec((16, HID), lambda i: (0, 0)),
        pl.BlockSpec((16, HID), lambda i: (0, 0)),
        pl.BlockSpec((8, HID), lambda i: (0, 0)),
        pl.BlockSpec((16, HID), lambda i: (0, 0)),
        pl.BlockSpec((1, HID), lambda i: (0, 0)),
        pl.BlockSpec((HID, OUT), lambda i: (0, 0)),
        pl.BlockSpec((1, OUT), lambda i: (0, 0)),
    ],
    out_specs=pl.BlockSpec((TB, OUT), lambda i: (i, 0)),
    out_shape=jax.ShapeDtypeStruct((B, OUT), jnp.float32),
)


def kernel(product_id, category_id, brand_id, price, is_store_brand,
           popularity, margin_pct, coupon_clip_rate, coupon_redemption_rate,
           organic_purchase_ratio, tier_id, elasticity_beta, optimal_discount,
           discount_offer, product_embed, category_embed, brand_embed,
           tier_embed, W1, b1, W2, b2):
    pid = product_id.astype(jnp.int32)
    ptab = jnp.pad(product_embed, ((0, 0), (0, 64)))

    pe = _sc_gather(pid, ptab)

    ctab = jnp.pad(category_embed, ((0, NCAT - 27), (0, 0)))
    btab = jnp.pad(brand_embed, ((0, NBRAND - 321), (0, 0)))
    ttab = jnp.pad(tier_embed, ((0, NTIER - 6), (0, 0)))

    zeros = jnp.zeros((B,), jnp.float32)
    feats = jnp.stack(
        [price, is_store_brand, popularity, margin_pct, coupon_clip_rate,
         coupon_redemption_rate, organic_purchase_ratio, elasticity_beta,
         optimal_discount, discount_offer,
         category_id.astype(jnp.float32), brand_id.astype(jnp.float32),
         tier_id.astype(jnp.float32), zeros, zeros, zeros], axis=1)

    w1p = W1[:, :64].T
    w1c = W1[:, 64:80].T
    w1b = W1[:, 80:96].T
    w1t = W1[:, 103:111].T
    w1f = jnp.concatenate(
        [W1[:, 96:103], W1[:, 111:114], jnp.zeros((HID, 6), jnp.float32)],
        axis=1).T

    return _tc_call(pe, feats, ctab, btab, ttab,
                    w1p, w1c, w1b, w1t, w1f,
                    b1.reshape(1, HID), W2.T, b2.reshape(1, OUT))

# --- scband reference (transcript-rebuilt; emitter-appended) ---
"""Pipeline reference for scband-product-tower-80187039416546 (READ-ONLY COPY).

The authoritative reference and input builder live on the scoring server;
editing this copy changes nothing except your own understanding.
"""

import jax, jax.numpy as jnp
import numpy as np

B = 16384

def setup_inputs(seed: int = 0) -> dict:
    key = jax.random.key(seed)
    ks = jax.random.split(key, 32)
    inp = {}
    inp["product_id"] = jax.random.randint(ks[0], (B,), 0, 12001)
    inp["category_id"] = jax.random.randint(ks[1], (B,), 0, 27)
    inp["brand_id"] = jax.random.randint(ks[2], (B,), 0, 321)
    inp["tier_id"] = jax.random.randint(ks[3], (B,), 0, 6)
    float_names = ["price", "is_store_brand", "popularity", "margin_pct", "coupon_clip_rate", "coupon_redemption_rate", "organic_purchase_ratio", "elasticity_beta", "optimal_discount", "discount_offer"]
    for i, n in enumerate(float_names):
        inp[n] = jax.random.uniform(ks[4 + i], (B,), dtype=jnp.float32)
    # learned parameters
    inp["product_embed"] = jax.random.normal(ks[14], (12001, 64), dtype=jnp.float32)
    inp["category_embed"] = jax.random.normal(ks[15], (27, 16), dtype=jnp.float32)
    inp["brand_embed"] = jax.random.normal(ks[16], (321, 16), dtype=jnp.float32)
    inp["tier_embed"] = jax.random.normal(ks[17], (6, 8), dtype=jnp.float32)
    input_dim = 64 + 16 + 16 + 8 + 10  # 114
    hidden_dim = 256
    output_dim = 256
    lim1 = float(np.sqrt(6.0 / (input_dim + hidden_dim)))
    lim2 = float(np.sqrt(6.0 / (hidden_dim + output_dim)))
    inp["W1"] = jax.random.uniform(ks[18], (hidden_dim, input_dim), minval=-lim1, maxval=lim1, dtype=jnp.float32)
    inp["b1"] = jnp.zeros((hidden_dim,), dtype=jnp.float32)
    inp["W2"] = jax.random.uniform(ks[19], (output_dim, hidden_dim), minval=-lim2, maxval=lim2, dtype=jnp.float32)
    inp["b2"] = jnp.zeros((output_dim,), dtype=jnp.float32)
    return inp

def reference(product_id, category_id, brand_id, price, is_store_brand, popularity, margin_pct, coupon_clip_rate, coupon_redemption_rate, organic_purchase_ratio, tier_id, elasticity_beta, optimal_discount, discount_offer, product_embed, category_embed, brand_embed, tier_embed, W1, b1, W2, b2):
    pe = jnp.take(product_embed, product_id, axis=0)
    ce = jnp.take(category_embed, category_id, axis=0)
    be = jnp.take(brand_embed, brand_id, axis=0)
    te = jnp.take(tier_embed, tier_id, axis=0)
    x = jnp.concatenate([pe, ce, be, price[:, None], is_store_brand[:, None], popularity[:, None], margin_pct[:, None], coupon_clip_rate[:, None], coupon_redemption_rate[:, None], organic_purchase_ratio[:, None], te, elasticity_beta[:, None], optimal_discount[:, None], discount_offer[:, None]], axis=1)
    x = jax.nn.relu(x @ W1.T + b1)
    x = x @ W2.T + b2
    norm = jnp.linalg.norm(x, ord=2, axis=1, keepdims=True)
    x = x / jnp.maximum(norm, 1e-12)
    return x

if __name__ == "__main__":
    import jax
    _d = setup_inputs()
    print(jax.jit(kernel)(*tuple(_d.values())))

</pallas_src>

<mosaic_0001>
#map = affine_map<(d0, d1) -> (0)>
#map1 = affine_map<(d0, d1) -> (0, 0)>
module attributes {stable_mosaic.version = 14 : i64} {
  func.func @_sc_gather(%arg0: i32, %arg1: i32, %arg2: memref<16384xi32, #tpu.memory_space<hbm>>, %arg3: memref<12001x128xf32, #tpu.memory_space<hbm>>, %arg4: memref<16384x128xf32, #tpu.memory_space<hbm>>, %arg5: memref<512xi32, #tpu.memory_space<vmem>>, %arg6: memref<512x128xf32, #tpu.memory_space<vmem>>, %arg7: memref<!tpu.dma_semaphore, #tpu.memory_space<semaphore_mem>>) attributes {dimension_semantics = [#tpu.dimension_semantics<core_parallel>, #tpu.dimension_semantics<subcore_parallel>], iteration_bounds = array<i64: 2, 16>, scalar_prefetch = 0 : i64, scratch_operands = 3 : i64, tpu.core_type = #tpu.core_type<sc_vector_subcore>, window_params = [{transform_indices = #map}, {transform_indices = #map1}, {transform_indices = #map1}]} {
    %mul3A = arith.constant 2 : i32
    %mul3A_0 = arith.muli %arg1, %mul3A : i32
    %add3A = arith.addi %mul3A_0, %arg0 : i32
    %mul3A_1 = arith.constant 512 : i32
    %mul3A_2 = arith.muli %add3A, %mul3A_1 : i32
    "tpu.region"() ({
      %run_scoped3A = tpu.sem_alloc : memref<!tpu.dma_semaphore, #tpu.memory_space<semaphore_mem>>
      %dma_start3A_7 = tpu.memref_slice %arg2[%mul3A_2] : memref<16384xi32, #tpu.memory_space<hbm>> -> memref<512xi32, #tpu.memory_space<hbm>>
      %dma_start3A_8 = tpu.memref_slice %arg2[%mul3A_2] : memref<16384xi32, #tpu.memory_space<hbm>> -> memref<512xi32, #tpu.memory_space<hbm>>
      tpu.enqueue_dma source(%dma_start3A_8 : memref<512xi32, #tpu.memory_space<hbm>>) target(%arg5 : memref<512xi32, #tpu.memory_space<vmem>>) target_semaphore(%run_scoped3A : memref<!tpu.dma_semaphore, #tpu.memory_space<semaphore_mem>>)
      %dma_wait3A_9 = tpu.memref_slice %arg2[%mul3A_2] : memref<16384xi32, #tpu.memory_space<hbm>> -> memref<512xi32, #tpu.memory_space<hbm>>
      %dma_wait3A_10 = tpu.memref_slice %arg2[%mul3A_2] : memref<16384xi32, #tpu.memory_space<hbm>> -> memref<512xi32, #tpu.memory_space<hbm>>
      tpu.wait_dma2 semaphore(%run_scoped3A : memref<!tpu.dma_semaphore, #tpu.memory_space<semaphore_mem>>) src(%dma_wait3A_10 : memref<512xi32, #tpu.memory_space<hbm>>) dst(%arg5 : memref<512xi32, #tpu.memory_space<vmem>>)
      tpu.yield
    }) : () -> ()
    %dma_start3A = arith.constant 0 : i32
    %dma_start3A_3 = arith.constant 0 : i32
    %dma_start3A_4 = tpu.memref_slice %arg3[%dma_start3A, %dma_start3A_3] : memref<12001x128xf32, #tpu.memory_space<hbm>> -> memref<12001x128xf32, #tpu.memory_space<hbm>>
    tpu.enqueue_indirect_dma source(%dma_start3A_4 : memref<12001x128xf32, #tpu.memory_space<hbm>>) target(%arg6 : memref<512x128xf32, #tpu.memory_space<vmem>>) offsets(%arg5 : memref<512xi32, #tpu.memory_space<vmem>>) semaphore(%arg7 : memref<!tpu.dma_semaphore, #tpu.memory_space<semaphore_mem>>)
    %dma_wait3A = arith.constant 0 : i32
    %dma_wait3A_5 = arith.constant 0 : i32
    %dma_wait3A_6 = tpu.memref_slice %arg3[%dma_wait3A, %dma_wait3A_5] : memref<12001x128xf32, #tpu.memory_space<hbm>> -> memref<12001x128xf32, #tpu.memory_space<hbm>>
    tpu.wait_indirect_dma semaphore(%arg7 : memref<!tpu.dma_semaphore, #tpu.memory_space<semaphore_mem>>) src(%dma_wait3A_6 : memref<12001x128xf32, #tpu.memory_space<hbm>>) dst(%arg6 : memref<512x128xf32, #tpu.memory_space<vmem>>)
    "tpu.region"() ({
      %run_scoped3A = tpu.sem_alloc : memref<!tpu.dma_semaphore, #tpu.memory_space<semaphore_mem>>
      %dma_start3A_7 = arith.constant 0 : i32
      %dma_start3A_8 = tpu.memref_slice %arg4[%mul3A_2, %dma_start3A_7] : memref<16384x128xf32, #tpu.memory_space<hbm>> -> memref<512x128xf32, #tpu.memory_space<hbm>>
      %dma_start3A_9 = arith.constant 0 : i32
      %dma_start3A_10 = tpu.memref_slice %arg4[%mul3A_2, %dma_start3A_9] : memref<16384x128xf32, #tpu.memory_space<hbm>> -> memref<512x128xf32, #tpu.memory_space<hbm>>
      tpu.enqueue_dma source(%arg6 : memref<512x128xf32, #tpu.memory_space<vmem>>) target(%dma_start3A_10 : memref<512x128xf32, #tpu.memory_space<hbm>>) target_semaphore(%run_scoped3A : memref<!tpu.dma_semaphore, #tpu.memory_space<semaphore_mem>>)
      %dma_wait3A_11 = arith.constant 0 : i32
      %dma_wait3A_12 = tpu.memref_slice %arg4[%mul3A_2, %dma_wait3A_11] : memref<16384x128xf32, #tpu.memory_space<hbm>> -> memref<512x128xf32, #tpu.memory_space<hbm>>
      %dma_wait3A_13 = arith.constant 0 : i32
      %dma_wait3A_14 = tpu.memref_slice %arg4[%mul3A_2, %dma_wait3A_13] : memref<16384x128xf32, #tpu.memory_space<hbm>> -> memref<512x128xf32, #tpu.memory_space<hbm>>
      tpu.wait_dma2 semaphore(%run_scoped3A : memref<!tpu.dma_semaphore, #tpu.memory_space<semaphore_mem>>) src(%arg6 : memref<512x128xf32, #tpu.memory_space<vmem>>) dst(%dma_wait3A_14 : memref<512x128xf32, #tpu.memory_space<hbm>>)
      tpu.yield
    }) : () -> ()
    return
  }
}

module attributes {stable_mosaic.version = 14 : i64} {
  func.func @_tc_mlp(%arg0: i32, %arg1: memref<4096x128xf32, #tpu.memory_space<vmem>>, %arg2: memref<4096x16xf32, #tpu.memory_space<vmem>>, %arg3: memref<32x16xf32, #tpu.memory_space<vmem>>, %arg4: memref<328x16xf32, #tpu.memory_space<vmem>>, %arg5: memref<8x8xf32, #tpu.memory_space<vmem>>, %arg6: memref<64x256xf32, #tpu.memory_space<vmem>>, %arg7: memref<16x256xf32, #tpu.memory_space<vmem>>, %arg8: memref<16x256xf32, #tpu.memory_space<vmem>>, %arg9: memref<8x256xf32, #tpu.memory_space<vmem>>, %arg10: memref<16x256xf32, #tpu.memory_space<vmem>>, %arg11: memref<1x256xf32, #tpu.memory_space<vmem>>, %arg12: memref<256x256xf32, #tpu.memory_space<vmem>>, %arg13: memref<1x256xf32, #tpu.memory_space<vmem>>, %arg14: memref<4096x256xf32, #tpu.memory_space<vmem>>) attributes {dimension_semantics = [#tpu.dimension_semantics<arbitrary>], iteration_bounds = array<i64: 4>, scalar_prefetch = 0 : i64, scratch_operands = 0 : i64, tpu.core_type = #tpu.core_type<tc>, window_params = [{transform_indices = @transform_0, window_bounds = array<i64: 4096, 128>}, {transform_indices = @transform_1, window_bounds = array<i64: 4096, 16>}, {pipeline_mode = #tpu.pipeline_mode<synchronous>, transform_indices = @transform_2, window_bounds = array<i64: 32, 16>}, {pipeline_mode = #tpu.pipeline_mode<synchronous>, transform_indices = @transform_3, window_bounds = array<i64: 328, 16>}, {pipeline_mode = #tpu.pipeline_mode<synchronous>, transform_indices = @transform_4, window_bounds = array<i64: 8, 8>}, {pipeline_mode = #tpu.pipeline_mode<synchronous>, transform_indices = @transform_5, window_bounds = array<i64: 64, 256>}, {pipeline_mode = #tpu.pipeline_mode<synchronous>, transform_indices = @transform_6, window_bounds = array<i64: 16, 256>}, {pipeline_mode = #tpu.pipeline_mode<synchronous>, transform_indices = @transform_7, window_bounds = array<i64: 16, 256>}, {pipeline_mode = #tpu.pipeline_mode<synchronous>, transform_indices = @transform_8, window_bounds = array<i64: 8, 256>}, {pipeline_mode = #tpu.pipeline_mode<synchronous>, transform_indices = @transform_9, window_bounds = array<i64: 16, 256>}, {pipeline_mode = #tpu.pipeline_mode<synchronous>, transform_indices = @transform_10, window_bounds = array<i64: 1, 256>}, {pipeline_mode = #tpu.pipeline_mode<synchronous>, transform_indices = @transform_11, window_bounds = array<i64: 256, 256>}, {pipeline_mode = #tpu.pipeline_mode<synchronous>, transform_indices = @transform_12, window_bounds = array<i64: 1, 256>}, {transform_indices = @transform_13, window_bounds = array<i64: 4096, 256>}]} {
    %get3A = arith.constant 0 : index
    %get3A_0 = arith.constant 0 : index
    %get3A_1 = vector.load %arg2[%get3A, %get3A_0] : memref<4096x16xf32, #tpu.memory_space<vmem>>, vector<4096x16xf32>
    %slice3A = vector.extract_strided_slice %get3A_1 {offsets = [0, 10], sizes = [4096, 1], strides = [1, 1]} : vector<4096x16xf32> to vector<4096x1xf32>
    %iota3A = tpu.iota {dimensions = array<i32: 1>} : vector<4096x32xi32>
    %convert_element_type3A = arith.sitofp %iota3A : vector<4096x32xi32> to vector<4096x32xf32>
    %eq3A = vector.broadcast %slice3A : vector<4096x1xf32> to vector<4096x32xf32>
    %eq3A_2 = arith.cmpf oeq, %eq3A, %convert_element_type3A : vector<4096x32xf32>
    %jit3A = arith.constant 1.000000e+00 : f32
    %jit3A_3 = arith.constant 0.000000e+00 : f32
    %broadcast_in_dim3A = vector.broadcast %jit3A : f32 to vector<4096x32xf32>
    %broadcast_in_dim3A_4 = vector.broadcast %jit3A_3 : f32 to vector<4096x32xf32>
    %select_n3A = arith.select %eq3A_2, %broadcast_in_dim3A, %broadcast_in_dim3A_4 : vector<4096x32xi1>, vector<4096x32xf32>
    %get3A_5 = arith.constant 0 : index
    %get3A_6 = arith.constant 0 : index
    %get3A_7 = vector.load %arg3[%get3A_5, %get3A_6] : memref<32x16xf32, #tpu.memory_space<vmem>>, vector<32x16xf32>
    %dot_general3A = arith.constant dense<0.000000e+00> : vector<4096x16xf32>
    %dot_general3A_8 = tpu.matmul %select_n3A, %get3A_7, %dot_general3A {dimension_numbers = #tpu.dot_dimension_numbers<[1], [0], [0], [1], [0, 0, 1, 1], [], []>, transpose_lhs_hint = false} : vector<4096x32xf32>, vector<32x16xf32>, vector<4096x16xf32> -> vector<4096x16xf32>
    %slice3A_9 = vector.extract_strided_slice %get3A_1 {offsets = [0, 11], sizes = [4096, 1], strides = [1, 1]} : vector<4096x16xf32> to vector<4096x1xf32>
    %iota3A_10 = tpu.iota {dimensions = array<i32: 1>} : vector<4096x328xi32>
    %convert_element_type3A_11 = arith.sitofp %iota3A_10 : vector<4096x328xi32> to vector<4096x328xf32>
    %eq3A_12 = vector.broadcast %slice3A_9 : vector<4096x1xf32> to vector<4096x328xf32>
    %eq3A_13 = arith.cmpf oeq, %eq3A_12, %convert_element_type3A_11 : vector<4096x328xf32>
    %jit3A_14 = arith.constant 1.000000e+00 : f32
    %jit3A_15 = arith.constant 0.000000e+00 : f32
    %broadcast_in_dim3A_16 = vector.broadcast %jit3A_14 : f32 to vector<4096x328xf32>
    %broadcast_in_dim3A_17 = vector.broadcast %jit3A_15 : f32 to vector<4096x328xf32>
    %select_n3A_18 = arith.select %eq3A_13, %broadcast_in_dim3A_16, %broadcast_in_dim3A_17 : vector<4096x328xi1>, vector<4096x328xf32>
    %get3A_19 = arith.constant 0 : index
    %get3A_20 = arith.constant 0 : index
    %get3A_21 = vector.load %arg4[%get3A_19, %get3A_20] : memref<328x16xf32, #tpu.memory_space<vmem>>, vector<328x16xf32>
    %dot_general3A_22 = arith.constant dense<0.000000e+00> : vector<4096x16xf32>
    %dot_general3A_23 = tpu.matmul %select_n3A_18, %get3A_21, %dot_general3A_22 {dimension_numbers = #tpu.dot_dimension_numbers<[1], [0], [0], [1], [0, 0, 1, 1], [], []>, transpose_lhs_hint = false} : vector<4096x328xf32>, vector<328x16xf32>, vector<4096x16xf32> -> vector<4096x16xf32>
    %slice3A_24 = vector.extract_strided_slice %get3A_1 {offsets = [0, 12], sizes = [4096, 1], strides = [1, 1]} : vector<4096x16xf32> to vector<4096x1xf32>
    %iota3A_25 = tpu.iota {dimensions = array<i32: 1>} : vector<4096x8xi32>
    %convert_element_type3A_26 = arith.sitofp %iota3A_25 : vector<4096x8xi32> to vector<4096x8xf32>
    %eq3A_27 = vector.broadcast %slice3A_24 : vector<4096x1xf32> to vector<4096x8xf32>
    %eq3A_28 = arith.cmpf oeq, %eq3A_27, %convert_element_type3A_26 : vector<4096x8xf32>
    %jit3A_29 = arith.constant 1.000000e+00 : f32
    %jit3A_30 = arith.constant 0.000000e+00 : f32
    %broadcast_in_dim3A_31 = vector.broadcast %jit3A_29 : f32 to vector<4096x8xf32>
    %broadcast_in_dim3A_32 = vector.broadcast %jit3A_30 : f32 to vector<4096x8xf32>
    %select_n3A_33 = arith.select %eq3A_28, %broadcast_in_dim3A_31, %broadcast_in_dim3A_32 : vector<4096x8xi1>, vector<4096x8xf32>
    %get3A_34 = arith.constant 0 : index
    %get3A_35 = arith.constant 0 : index
    %get3A_36 = vector.load %arg5[%get3A_34, %get3A_35] : memref<8x8xf32, #tpu.memory_space<vmem>>, vector<8x8xf32>
    %dot_general3A_37 = arith.constant dense<0.000000e+00> : vector<4096x8xf32>
    %dot_general3A_38 = tpu.matmul %select_n3A_33, %get3A_36, %dot_general3A_37 {dimension_numbers = #tpu.dot_dimension_numbers<[1], [0], [0], [1], [0, 0, 1, 1], [], []>, transpose_lhs_hint = false} : vector<4096x8xf32>, vector<8x8xf32>, vector<4096x8xf32> -> vector<4096x8xf32>
    %get3A_39 = arith.constant 0 : index
    %get3A_40 = arith.constant 0 : index
    %get3A_41 = vector.load %arg1[%get3A_39, %get3A_40] : memref<4096x128xf32, #tpu.memory_space<vmem>>, vector<4096x64xf32>
    %get3A_42 = arith.constant 0 : index
    %get3A_43 = arith.constant 0 : index
    %get3A_44 = vector.load %arg6[%get3A_42, %get3A_43] : memref<64x256xf32, #tpu.memory_space<vmem>>, vector<64x256xf32>
    %dot_general3A_45 = arith.constant dense<0.000000e+00> : vector<4096x256xf32>
    %dot_general3A_46 = tpu.matmul %get3A_41, %get3A_44, %dot_general3A_45 {dimension_numbers = #tpu.dot_dimension_numbers<[1], [0], [0], [1], [0, 0, 1, 1], [], []>, transpose_lhs_hint = false} : vector<4096x64xf32>, vector<64x256xf32>, vector<4096x256xf32> -> vector<4096x256xf32>
    %get3A_47 = arith.constant 0 : index
    %get3A_48 = arith.constant 0 : index
    %get3A_49 = vector.load %arg7[%get3A_47, %get3A_48] : memref<16x256xf32, #tpu.memory_space<vmem>>, vector<16x256xf32>
    %dot_general3A_50 = arith.constant dense<0.000000e+00> : vector<4096x256xf32>
    %dot_general3A_51 = tpu.matmul %dot_general3A_8, %get3A_49, %dot_general3A_50 {dimension_numbers = #tpu.dot_dimension_numbers<[1], [0], [0], [1], [0, 0, 1, 1], [], []>, transpose_lhs_hint = false} : vector<4096x16xf32>, vector<16x256xf32>, vector<4096x256xf32> -> vector<4096x256xf32>
    %add3A = arith.addf %dot_general3A_46, %dot_general3A_51 : vector<4096x256xf32>
    %get3A_52 = arith.constant 0 : index
    %get3A_53 = arith.constant 0 : index
    %get3A_54 = vector.load %arg8[%get3A_52, %get3A_53] : memref<16x256xf32, #tpu.memory_space<vmem>>, vector<16x256xf32>
    %dot_general3A_55 = arith.constant dense<0.000000e+00> : vector<4096x256xf32>
    %dot_general3A_56 = tpu.matmul %dot_general3A_23, %get3A_54, %dot_general3A_55 {dimension_numbers = #tpu.dot_dimension_numbers<[1], [0], [0], [1], [0, 0, 1, 1], [], []>, transpose_lhs_hint = false} : vector<4096x16xf32>, vector<16x256xf32>, vector<4096x256xf32> -> vector<4096x256xf32>
    %add3A_57 = arith.addf %add3A, %dot_general3A_56 : vector<4096x256xf32>
    %get3A_58 = arith.constant 0 : index
    %get3A_59 = arith.constant 0 : index
    %get3A_60 = vector.load %arg9[%get3A_58, %get3A_59] : memref<8x256xf32, #tpu.memory_space<vmem>>, vector<8x256xf32>
    %dot_general3A_61 = arith.constant dense<0.000000e+00> : vector<4096x256xf32>
    %dot_general3A_62 = tpu.matmul %dot_general3A_38, %get3A_60, %dot_general3A_61 {dimension_numbers = #tpu.dot_dimension_numbers<[1], [0], [0], [1], [0, 0, 1, 1], [], []>, transpose_lhs_hint = false} : vector<4096x8xf32>, vector<8x256xf32>, vector<4096x256xf32> -> vector<4096x256xf32>
    %add3A_63 = arith.addf %add3A_57, %dot_general3A_62 : vector<4096x256xf32>
    %get3A_64 = arith.constant 0 : index
    %get3A_65 = arith.constant 0 : index
    %get3A_66 = vector.load %arg10[%get3A_64, %get3A_65] : memref<16x256xf32, #tpu.memory_space<vmem>>, vector<16x256xf32>
    %dot_general3A_67 = arith.constant dense<0.000000e+00> : vector<4096x256xf32>
    %dot_general3A_68 = tpu.matmul %get3A_1, %get3A_66, %dot_general3A_67 {dimension_numbers = #tpu.dot_dimension_numbers<[1], [0], [0], [1], [0, 0, 1, 1], [], []>, transpose_lhs_hint = false} : vector<4096x16xf32>, vector<16x256xf32>, vector<4096x256xf32> -> vector<4096x256xf32>
    %add3A_69 = arith.addf %add3A_63, %dot_general3A_68 : vector<4096x256xf32>
    %get3A_70 = arith.constant 0 : index
    %get3A_71 = arith.constant 0 : index
    %get3A_72 = vector.load %arg11[%get3A_70, %get3A_71] : memref<1x256xf32, #tpu.memory_space<vmem>>, vector<1x256xf32>
    %add3A_73 = vector.broadcast %get3A_72 : vector<1x256xf32> to vector<4096x256xf32>
    %add3A_74 = arith.addf %add3A_69, %add3A_73 : vector<4096x256xf32>
    %max3A = arith.constant 0.000000e+00 : f32
    %max3A_75 = vector.broadcast %max3A : f32 to vector<4096x256xf32>
    %max3A_76 = arith.maximumf %add3A_74, %max3A_75 : vector<4096x256xf32>
    %get3A_77 = arith.constant 0 : index
    %get3A_78 = arith.constant 0 : index
    %get3A_79 = vector.load %arg12[%get3A_77, %get3A_78] : memref<256x256xf32, #tpu.memory_space<vmem>>, vector<256x256xf32>
    %dot_general3A_80 = arith.constant dense<0.000000e+00> : vector<4096x256xf32>
    %dot_general3A_81 = tpu.matmul %max3A_76, %get3A_79, %dot_general3A_80 {dimension_numbers = #tpu.dot_dimension_numbers<[1], [0], [0], [1], [0, 0, 1, 1], [], []>, transpose_lhs_hint = false} : vector<4096x256xf32>, vector<256x256xf32>, vector<4096x256xf32> -> vector<4096x256xf32>
    %get3A_82 = arith.constant 0 : index
    %get3A_83 = arith.constant 0 : index
    %get3A_84 = vector.load %arg13[%get3A_82, %get3A_83] : memref<1x256xf32, #tpu.memory_space<vmem>>, vector<1x256xf32>
    %add3A_85 = vector.broadcast %get3A_84 : vector<1x256xf32> to vector<4096x256xf32>
    %add3A_86 = arith.addf %dot_general3A_81, %add3A_85 : vector<4096x256xf32>
    %mul3A = arith.mulf %add3A_86, %add3A_86 : vector<4096x256xf32>
    %reduce_sum3A = arith.constant dense<0.000000e+00> : vector<4096xf32>
    %reduce_sum3A_87 = vector.multi_reduction <add>, %mul3A, %reduce_sum3A [1] : vector<4096x256xf32> to vector<4096xf32>
    %broadcast_in_dim3A_88 = vector.shape_cast %reduce_sum3A_87 : vector<4096xf32> to vector<4096x1xf32>
    %max3A_89 = arith.constant 1.000000e-24 : f32
    %max3A_90 = vector.broadcast %max3A_89 : f32 to vector<4096x1xf32>
    %max3A_91 = arith.maximumf %broadcast_in_dim3A_88, %max3A_90 : vector<4096x1xf32>
    %rsqrt3A = math.rsqrt %max3A_91 : vector<4096x1xf32>
    %mul3A_92 = vector.broadcast %rsqrt3A : vector<4096x1xf32> to vector<4096x256xf32>
    %mul3A_93 = arith.mulf %add3A_86, %mul3A_92 : vector<4096x256xf32>
    %swap3A = arith.constant 0 : index
    %swap3A_94 = arith.constant 0 : index
    %swap3A_95 = vector.load %arg14[%swap3A, %swap3A_94] : memref<4096x256xf32, #tpu.memory_space<vmem>>, vector<4096x256xf32>
    tpu.vector_store %arg14[%swap3A, %swap3A_94], %mul3A_93 {strides = array<i32>} : memref<4096x256xf32, #tpu.memory_space<vmem>>, vector<4096x256xf32>,
    return
  }
  func.func @transform_0(%arg0: i32) -> (i32, i32) {
    %c0_i32 = arith.constant 0 : i32
    %c0_i32_0 = arith.constant 0 : i32
    return %arg0, %c0_i32 : i32, i32
  }
  func.func @transform_1(%arg0: i32) -> (i32, i32) {
    %c0_i32 = arith.constant 0 : i32
    %c0_i32_0 = arith.constant 0 : i32
    return %arg0, %c0_i32 : i32, i32
  }
  func.func @transform_2(%arg0: i32) -> (i32, i32) {
    %c0_i32 = arith.constant 0 : i32
    %c0_i32_0 = arith.constant 0 : i32
    %c0_i32_1 = arith.constant 0 : i32
    return %c0_i32, %c0_i32_0 : i32, i32
  }
  func.func @transform_3(%arg0: i32) -> (i32, i32) {
    %c0_i32 = arith.constant 0 : i32
    %c0_i32_0 = arith.constant 0 : i32
    %c0_i32_1 = arith.constant 0 : i32
    return %c0_i32, %c0_i32_0 : i32, i32
  }
  func.func @transform_4(%arg0: i32) -> (i32, i32) {
    %c0_i32 = arith.constant 0 : i32
    %c0_i32_0 = arith.constant 0 : i32
    %c0_i32_1 = arith.constant 0 : i32
    return %c0_i32, %c0_i32_0 : i32, i32
  }
  func.func @transform_5(%arg0: i32) -> (i32, i32) {
    %c0_i32 = arith.constant 0 : i32
    %c0_i32_0 = arith.constant 0 : i32
    %c0_i32_1 = arith.constant 0 : i32
    return %c0_i32, %c0_i32_0 : i32, i32
  }
  func.func @transform_6(%arg0: i32) -> (i32, i32) {
    %c0_i32 = arith.constant 0 : i32
    %c0_i32_0 = arith.constant 0 : i32
    %c0_i32_1 = arith.constant 0 : i32
    return %c0_i32, %c0_i32_0 : i32, i32
  }
  func.func @transform_7(%arg0: i32) -> (i32, i32) {
    %c0_i32 = arith.constant 0 : i32
    %c0_i32_0 = arith.constant 0 : i32
    %c0_i32_1 = arith.constant 0 : i32
    return %c0_i32, %c0_i32_0 : i32, i32
  }
  func.func @transform_8(%arg0: i32) -> (i32, i32) {
    %c0_i32 = arith.constant 0 : i32
    %c0_i32_0 = arith.constant 0 : i32
    %c0_i32_1 = arith.constant 0 : i32
    return %c0_i32, %c0_i32_0 : i32, i32
  }
  func.func @transform_9(%arg0: i32) -> (i32, i32) {
    %c0_i32 = arith.constant 0 : i32
    %c0_i32_0 = arith.constant 0 : i32
    %c0_i32_1 = arith.constant 0 : i32
    return %c0_i32, %c0_i32_0 : i32, i32
  }
  func.func @transform_10(%arg0: i32) -> (i32, i32) {
    %c0_i32 = arith.constant 0 : i32
    %c0_i32_0 = arith.constant 0 : i32
    %c0_i32_1 = arith.constant 0 : i32
    return %c0_i32, %c0_i32_0 : i32, i32
  }
  func.func @transform_11(%arg0: i32) -> (i32, i32) {
    %c0_i32 = arith.constant 0 : i32
    %c0_i32_0 = arith.constant 0 : i32
    %c0_i32_1 = arith.constant 0 : i32
    return %c0_i32, %c0_i32_0 : i32, i32
  }
  func.func @transform_12(%arg0: i32) -> (i32, i32) {
    %c0_i32 = arith.constant 0 : i32
    %c0_i32_0 = arith.constant 0 : i32
    %c0_i32_1 = arith.constant 0 : i32
    return %c0_i32, %c0_i32_0 : i32, i32
  }
  func.func @transform_13(%arg0: i32) -> (i32, i32) {
    %c0_i32 = arith.constant 0 : i32
    %c0_i32_0 = arith.constant 0 : i32
    return %arg0, %c0_i32 : i32, i32
  }
}

</mosaic_0001>

<sc_bundles>
// kernel: kernel.5.cloned.1.call-start
scs
__scs_entry_jumppad:
0x0: {  	(pc) =	sbr.rel $0x88, $3  }
0x1: {  	(tag) =	ssettag $0x0;
	lr =	simm.s32 $0x1  }
0x2: {  	[smem:$0x3F8B] =	sst lr;
	_ =	strace $0xD0000000  }
0x3: {  	_ = 	snop  }
0x4: {  	_ = 	snop  }
0x5: {  	_ = 	snop  }
0x6: {  	_ = 	snop  }
0x7: {  	_ = 	snop  }
__scs_overlays_trampoline_lowered:
0x8: {  	[smem:$0x3F9A] =	sst s0  }
0x9: {  	[smem:$0x3F9B] =	sst s1  }
0xa: {  	[smem:$0x3F9C] =	sst s2  }
0xb: {  	[smem:$0x3F9D] =	sst s3  }
0xc: {  	[smem:$0x3F9E] =	sst s4  }
0xd: {  	[smem:$0x3F9F] =	sst s5  }
0xe: {  	[smem:$0x3FA0] =	sst s6  }
0xf: {  	[smem:$0x3FA1] =	sst s7  }
0x10: {  	[smem:$0x3FA2] =	sst s8  }
0x11: {  	[smem:$0x3FA3] =	sst s9;
	s0 =	simm.s32 @!p0 $0x0  }
0x12: {  	s1 =	sld [smem:$0x3F89];
	s0 =	simm.s32 @p0 $0x1  }
0x13: {  	[smem:$0x3FA4] =	sst s0;
	s0 =	simm.s32 @!p1 $0x0  }
0x14: {  	s2 =	sld [smem:$0x3F88];
	s0 =	simm.s32 @p1 $0x1  }
0x15: {  	[smem:$0x3FA5] =	sst s0;
	s0 =	simm.s32 @!p2 $0x0  }
0x16: {  	s3 =	sld [smem:$0x3FDB];
	s0 =	simm.s32 @p2 $0x1  }
0x17: {  	s4 =	simm.s32 $0x1BF5;
	[smem:$0x3FA7] =	sst s0  }
0x18: {  	s0 =	sld [smem:$0x3F8A];
	_ =	swait.ge [sflag:s4], $0x0  }
0x19: {  	s7 =	sld [smem:$0x3F8B]  }
0x1a: {  	s8 =	sadd.s32 $0xFFFFE003, lr  }
0x1b: {  	s9 =	sadd.s32 $0xFFFFFEF7, lr;
	s5 =	simm.s32 $0xFFFFFFFF;
	p2 =	slt.u32 s8, $0xFFFFF086  }
0x1c: {  	p1 =	slt.u32 s9, $0xF7A;
	s5 =	simm.s32 @!p2 $0x0  }
0x1d: {  	s5 =	simm.s32 @p1 $0x1;
	p0 =	seq.s32 s7, s2  }
0x1e: {  	s7 =	smul.u32 @!p0 $0xF7A, s2;
	p2 =	seq.s32 @!p0 s5, $0x0  }
0x1f: {  	s9 =	smul.u32 $0xF7A, s1;
	s8 =	simm.s32 @!p0 $0x1BF5;
	p2 =	por !p2, p0  }
0x20: {  	[sflag:s8] =	ssyncset.s32 @!p0 $0xFFFFF086;
	s6 =	sadd.s32 @!p0 s3, s7;
	s7 =	simm.s32 @!p0 $0x108  }
0x21: {  	s3 =	sadd.s32 s3, s9;
	s6 =	sadd.s32 @!p0 $0x88, s6;
	s7 =	simm.s32 @p2 $0x1082  }
0x22: {  	[simem:s7], [sflag:s8] =	dma.local @!p0 [hbm:s6], $0xF7A  }
0x23: {  	s9 =	sor.u32 $0xD0000000, s2;
	s6 =	simm.s32 $0x108;
	_ =	swait.ge @!p0 [sflag:s8], $0x0  }
0x24: {  	s3 =	sadd.s32 $0x88, s3;
	s6 =	simm.s32 @!p1 $0x1082;
	[sflag:s4] =	ssyncset.s32 $0xFFFFF086  }
0x25: {  	[simem:s6], [sflag:s4] =	dma.local [hbm:s3], $0xF7A  }
0x26: {  	[smem:$0x3F8B] =	sst s1;
	(tag) =	ssettag s2;
	_ =	strace s9  }
0x27: {  	s1 =	sld [smem:$0x3F9B]  }
0x28: {  	s2 =	sld [smem:$0x3F9C]  }
0x29: {  	s4 =	sld [smem:$0x3F9E]  }
0x2a: {  	p0 =	seq.s32 s5, $0x0;
	s5 =	sld [smem:$0x3F9F]  }
0x2b: {  	s6 =	sld [smem:$0x3FA0]  }
0x2c: {  	s7 =	sld [smem:$0x3FA1]  }
0x2d: {  	s3 =	simm.s32 $0x108;
	s8 =	sld [smem:$0x3FA2]  }
0x2e: {  	s3 =	simm.s32 @!p0 $0x1082;
	s9 =	sld [smem:$0x3FA3]  }
0x2f: {  	lr =	sadd.s32 s0, s3;
	s0 =	sld [smem:$0x3F9A]  }
0x30: {  	s3 =	sld [smem:$0x3F9D]  }
0x31: {  	[smem:$0x3FA6] =	sst s10  }
0x32: {  	s10 =	sld [smem:$0x3FA4];
	_ =	sdelay $0x3  }
0x33: {  	p0 =	seq.s32 s10, $0x1;
	s10 =	sld [smem:$0x3FA6];
	_ =	sdelay $0x3  }
0x34: {  	[smem:$0x3FA6] =	sst s10  }
0x35: {  	s10 =	sld [smem:$0x3FA5];
	_ =	sdelay $0x3  }
0x36: {  	p1 =	seq.s32 s10, $0x1;
	s10 =	sld [smem:$0x3FA6];
	_ =	sdelay $0x3  }
0x37: {  	[smem:$0x3FA6] =	sst s10  }
0x38: {  	s10 =	sld [smem:$0x3FA7]  }
0x39: {  	_ = 	snop;
	(pc) =	sbr.ind lr, $3  }
0x3a: {  	_ = 	snop  }
0x3b: {  	_ = 	snop  }
0x3c: {  	p2 =	seq.s32 s10, $0x1;
	s10 =	sld [smem:$0x3FA6]  }
0x3d: {  	_ =	shalt  }
0x3e: {  	_ =	shalt  }
0x3f: {  	_ =	shalt  }
0x40: {  	_ =	shalt  }
0x41: {  	_ =	shalt  }
0x42: {  	_ =	shalt  }
0x43: {  	_ =	shalt  }
0x44: {  	_ =	shalt  }
0x45: {  	_ =	shalt  }
0x46: {  	_ =	shalt  }
0x47: {  	_ =	shalt  }
0x48: {  	_ =	shalt  }
0x49: {  	_ =	shalt  }
0x4a: {  	_ =	shalt  }
0x4b: {  	_ =	shalt  }
0x4c: {  	_ =	shalt  }
0x4d: {  	_ =	shalt  }
0x4e: {  	_ =	shalt  }
0x4f: {  	_ =	shalt  }
0x50: {  	_ =	shalt  }
0x51: {  	_ =	shalt  }
0x52: {  	_ =	shalt  }
0x53: {  	_ =	shalt  }
0x54: {  	_ =	shalt  }
0x55: {  	_ =	shalt  }
0x56: {  	_ =	shalt  }
0x57: {  	_ =	shalt  }
0x58: {  	_ =	shalt  }
0x59: {  	_ =	shalt  }
0x5a: {  	_ =	shalt  }
0x5b: {  	_ =	shalt  }
0x5c: {  	_ =	shalt  }
0x5d: {  	_ =	shalt  }
0x5e: {  	_ =	shalt  }
0x5f: {  	_ =	shalt  }
0x60: {  	_ =	shalt  }
0x61: {  	_ =	shalt  }
0x62: {  	_ =	shalt  }
0x63: {  	_ =	shalt  }
0x64: {  	_ =	shalt  }
0x65: {  	_ =	shalt  }
0x66: {  	_ =	shalt  }
0x67: {  	_ =	shalt  }
0x68: {  	_ =	shalt  }
0x69: {  	_ =	shalt  }
0x6a: {  	_ =	shalt  }
0x6b: {  	_ =	shalt  }
0x6c: {  	_ =	shalt  }
0x6d: {  	_ =	shalt  }
0x6e: {  	_ =	shalt  }
0x6f: {  	_ =	shalt  }
0x70: {  	_ =	shalt  }
0x71: {  	_ =	shalt  }
0x72: {  	_ =	shalt  }
0x73: {  	_ =	shalt  }
0x74: {  	_ =	shalt  }
0x75: {  	_ =	shalt  }
0x76: {  	_ =	shalt  }
0x77: {  	_ =	shalt  }
0x78: {  	_ =	shalt  }
0x79: {  	_ =	shalt  }
0x7a: {  	_ =	shalt  }
0x7b: {  	_ =	shalt  }
0x7c: {  	_ =	shalt  }
0x7d: {  	_ =	shalt  }
0x7e: {  	_ =	shalt  }
0x7f: {  	_ =	shalt  }
0x80: {  	_ =	shalt  }
0x81: {  	_ =	shalt  }
0x82: {  	_ =	shalt  }
0x83: {  	_ =	shalt  }
0x84: {  	_ =	shalt  }
0x85: {  	_ =	shalt  }
0x86: {  	_ =	shalt  }
0x87: {  	_ =	shalt  }
.Lfunc_end0:
.L_simem_size_0:
called_computation_lowered:
.L_overlay_start_0:
0x88: {  	s2 =	sld [smem:$0x3FD9]  }
0x89: {  	s3 =	sld [smem:$0x3FFE];
	_ =	sdelay $0x1  }
0x8a: {  	s1 =	srdreg.scid  }
0x8b: {  	s0 =	sand.u32 $0x1, s1  }
0x8c: {  	s17 =	sshll.u32 s0, $0xA;
	s2 =	sadd.s32 s3, s2  }
0x8d: {  	s2 =	sadd.s32 s2, s17  }
0x8e: {  	[smem:$0x3FB2] =	sst s2  }
0x8f: {  	_ = 	snop  }
0x90: {  	s2 =	sld [smem:$0x3FC9]  }
0x91: {  	s18 =	sld [smem:$0x3FD0];
	(tm) =	ssettm $0x1  }
0x92: {  	s4 =	sld [smem:$0x3FFB];
	_ =	sdelay $0x3  }
0x93: {  	_ =	strace s4  }
0x94: {  	s4 =	sld [smem:$0x3FFC];
	_ =	sdelay $0x3  }
0x95: {  	_ =	strace s4  }
0x96: {  	s4 =	sld [smem:$0x3FFD];
	_ =	sdelay $0x3  }
0x97: {  	_ =	strace s4  }
0x98: {  	_ =	strace $0x8FFFFFFF  }
0x99: {  	s19 =	sld [smem:$0x3FDB];
	_ =	sdelay $0x1  }
0x9a: {  	s5 =	simm.s32 $_scs_section_size  }
0x9b: {  	s6 =	simm.s32 $_size__tile_overlayer_lowered;
	s7 =	simm.s32 $_tile_overlayer_lowered  }
0x9c: {  	s22 =	simm.s32 $0x1BFF;
	s21 =	sshll.u32 s7, $0x1;
	s4 =	sadd.s32 s5, s19  }
0x9d: {  	s8 =	simm.s32 $0x0;
	s20 =	sshll.u32 s6, $0x1;
	s6 =	sadd.s32 s21, s4  }
0x9e: {  	[timem:s8], [sflag:s22] =	dma.local [hbm:s6], s20  }
0x9f: {  	_ =	swait.ge [sflag:s22], s20  }
0xa0: {  	s5 =	ssub.s32 $0x0, s20;
	[sflag:s22] =	ssyncset.done $0x0  }
0xa1: {  	[sflag:s22] =	ssyncadd.s32 s5;
	_ =	sdelay $0x1  }
0xa2: {  	s23 =	simm.s32 $0x1B8B  }
0xa3: {  	_ =	swait.ge [sflag:s23], $0x1  }
0xa4: {  	[sflag:s23] =	ssyncset.done $0x0  }
0xa5: {  	s25 =	simm.s32 $0x1B8E;
	s24 =	sld [smem:$0x3FFE];
	[sflag:s23] =	ssyncadd.s32 $0xFFFFFFFF  }
0xa6: {  	s26 =	simm.s32 $execute0_lowered;
	[smem:$0x3FD2] =	sst s25  }
0xa7: {  	s6 =	sshll.u32 s26, $0x1;
	_ =	strace $0x80000046;
	[dreg:$0x1] =	wrdreg $0xFFFFFFFF  }
0xa8: {  	s28 =	simm.s32 $_size_execute0_lowered;
	s4 =	sadd.s32 s4, s6;
	[dreg:$0x0] =	wrdreg $0x0  }
0xa9: {  	s6 =	sshll.u32 s28, $0x1;
	[dreg:$0x2] =	wrdreg s4  }
0xaa: {  	[dreg:$0x3] =	wrdreg s6  }
0xab: {  	[dreg:$0x4] =	wrdreg $0xC0  }
0xac: {  	_ =	task [dreg:s8], $0x5FFFF  }
0xad: {  	[dreg:$0x1] =	wrdreg $0xFFFFFFFF  }
0xae: {  	[dreg:$0x0] =	wrdreg $0x60  }
0xaf: {  	[dreg:$0x2] =	wrdreg s2  }
0xb0: {  	[dreg:$0x3] =	wrdreg s18  }
0xb1: {  	[dreg:$0x4] =	wrdreg s24  }
0xb2: {  	[dreg:$0x5] =	wrdreg $0x9  }
0xb3: {  	_ =	task.clear_ibuf [dreg:s8], $0x6FFFF;
	_ =	strace $0x90000046  }
0xb4: {  	s29 =	simm.s32 $0x9;
	_ =	strace $0x80000048  }
0xb5: {  	_ =	swait.ge [sflag:s29], $0x1  }
0xb6: {  	[sflag:s29] =	ssyncadd.s32 $0xFFFFFFFF  }
0xb7: {  	_ =	strace $0x90000048  }
0xb8: {  	_ =	sfence  }
0xb9: {  	s30 =	sld [smem:$0x0];
	_ =	sdelay $0x2  }
0xba: {  	s31 =	sshll.u32 s1, $0xD;
	s1 =	sshrl.u32 s1, $0x2  }
0xbb: {  	s3 =	sand.u32 $0x4000, s31;
	s1 =	sadd.s32 s1, s30  }
0xbc: {  	s0 =	sor.u32 s3, s0;
	s1 =	sshll.u32 s1, $0x11  }
0xbd: {  	s0 =	sor.u32 s1, s0  }
0xbe: {  	s0 =	sadd.s32 $0x8F2B, s0  }
0xbf: {  	[sflag:s0] =	ssyncadd.remote.s32 $0x1  }
0xc0: {  	_ =	sfence.sel $0xFFFF  }
0xc1: {  	[dreg:$0x0] =	wrdreg $0xFFFFFFFF;
	(pc) =	sbr.abs _section_cstart, $3  }
0xc2: {  	[dreg:$0x1] =	wrdreg $0xFFFFFFFF  }
0xc3: {  	_ =	task.clear_ibuf [dreg:s8], $0x2FFFF;
	_ =	strace $0x9FFFFFFF  }
0xc4: {  	(tm) =	ssettm $0x7FFFFFFF  }
0xc5: {  	_ =	shalt  }
tec
execute0_lowered:
.L_overlay_start_1:
0x0: {  	(tag) =	ssettag $0x1  }
0x1: {  	s4 =	rddreg [dreg:$0x0];
	s1 =	srdreg.scid  }
0x2: {  	s2 =	rddreg [dreg:$0x1];
	s0 =	stileid.u32  }
0x3: {  	s8 =	rddreg [dreg:$0x2];
	s3 =	simm.s32 $0x0;
	s6 =	sand.u32 $0x1, s1  }
0x4: {  	s5 =	sshll.u32 s0, $0xA;
	s1 =	rddreg [dreg:$0x3];
	s7 =	sshll.u32 s6, $0x9  }
0x5: {  	[smem:$0x7FF] =	sst s3;
	s9 =	sor.u32 s7, s5  }
0x6: {  	_ =	strace $0x80000047;
	s10 =	ssub.s32 $0x2, s6;
	s5 =	sshrl.u32 s9, $0x3  }
0x7: {  	s6 =	simm.s32 $0x200;
	s5 =	sadd.s32 s4, s5;
	s4 =	simm.s32 $0x2  }
0x8: {  	[tilespmem:s3], [sflag:$0x2] =	stream.linear.gather [hbm4b:s5+s3], $0x200, $0x38;
	[tilespmem:$0x10200] =	vst v63  }
0x9: {  	s7 =	simm.s32 $0x1;
	s11 =	sshrl.u32 s10, $0x1;
	_ =	swait.ge [sflag:s4], $0x200  }
0xa: {  	s9 =	sshll.u32 s9, $0x4;
	s31 =	ssub.s32 s10, s11;
	[sflag:s4] =	ssyncset.done $0x0  }
0xb: {  	s8 =	sadd.s32 s9, s8;
	s9 =	smax.u32 s31, $0x1;
	[sflag:s4] =	ssyncadd.s32 $0xFFFFFE00  }
0xc: {  	[tilespmem:s6], [sflag:$0x1] =	stream.indirect.gather [hbm4b:s2+s6], $0x80, s3, s6, $0xb8;
	[tilespmem:$0x10200] =	vst v63  }
0xd: {  	p0 =	sne.s32 s9, $0x1;
	_ =	swait.ge [sflag:s7], $0x10000  }
.Ltmp0:
0xe: {  	[sflag:s7] =	ssyncset.done $0x0;
	(pc) =	sbr.rel @!p0 .LBB2_2-.Ltmp0, $4  }
0xf: {  	s8 =	sadd.s32 $0x3000, s8;
	[sflag:s7] =	ssyncadd.s32 $0xFFFF0000  }
0x10: {  	[hbm4b:s8+s3] =	stream.linear.scatter [tilespmem:s6], [sflag:$0x2], $0x10000, $0x38;
	[tilespmem:$0x10200] =	vst v63  }
0x11: {  	_ =	swait.ge [sflag:s4], $0x10000  }
0x12: {  	s9 =	sadd.s32 $0xFFFFFFFF, s9;
	[sflag:s4] =	ssyncset.done $0x0  }
.LBB2_1:
0x13: {  	p0 =	sne.s32 s9, $0x1;
	s9 =	sadd.s32 $0xFFFFFFFF, s9;
	[sflag:s4] =	ssyncadd.s32 $0xFFFF0000  }
0x14: {  	[tilespmem:s3], [sflag:$0x2] =	stream.linear.gather [hbm4b:s5+s3], $0x200, $0x38;
	[tilespmem:$0x10200] =	vst v63  }
0x15: {  	_ =	swait.ge [sflag:s4], $0x200  }
0x16: {  	[sflag:s4] =	ssyncset.done $0x0  }
0x17: {  	[sflag:s4] =	ssyncadd.s32 $0xFFFFFE00  }
0x18: {  	[tilespmem:s6], [sflag:$0x1] =	stream.indirect.gather [hbm4b:s2+s6], $0x80, s3, s6, $0xb8;
	[tilespmem:$0x10200] =	vst v63  }
0x19: {  	_ =	swait.ge [sflag:s7], $0x10000  }
.Ltmp1:
0x1a: {  	[sflag:s7] =	ssyncset.done $0x0;
	(pc) =	sbr.rel @p0 .LBB2_1-.Ltmp1, $4  }
0x1b: {  	[sflag:s7] =	ssyncadd.s32 $0xFFFF0000  }
0x1c: {  	[hbm4b:s8+s3] =	stream.linear.scatter [tilespmem:s6], [sflag:$0x2], $0x10000, $0x38;
	[tilespmem:$0x10200] =	vst v63  }
0x1d: {  	_ =	swait.ge [sflag:s4], $0x10000  }
0x1e: {  	[sflag:s4] =	ssyncset.done $0x0  }
.LBB2_2:
0x1f: {  	[sflag:s4] =	ssyncadd.s32 $0xFFFF0000  }
0x20: {  	_ =	sfence.sel $0x180000  }
0x21: {  	[bflag:$0x0] =	sbarrier.arrive $0xFFFF  }
0x22: {  	p0 =	sne.s32 s0, $0x0;
	_ =	strace $0x90000047  }
0x23: {  	s0 =	sadd.s32 @!p0 $0x100000, s1;
	[bflag:$0x2] =	sbarrier.arrive $0xFFFF  }
0x24: {  	[sflag:s0] =	ssyncadd.tile.s32 @!p0 $0x1;
	_ =	shalt  }
.Lfunc_end2:
_tile_overlayer_lowered:
.L_overlay_start_2:
0x25: {  	(tag) =	ssettag $0x2  }
0x26: {  	s0 =	rddreg [dreg:$0x0];
	s2 =	stileid.u32  }
0x27: {  	s1 =	rddreg [dreg:$0x1];
	p0 =	sne.s32 s2, $0x0  }
0x28: {  	s3 =	rddreg [dreg:$0x2];
	[bflag:$0x3] =	sbarrier.arrive $0xFFFF;
	s2 =	simm.s32 @!p0 $0x1C02  }
0x29: {  	[timem:s3], [sflag:s2] =	dma.local @!p0 [hbm:s0], s1  }
0x2a: {  	s0 =	simm.s32 @!p0 $0x2  }
0x2b: {  	_ =	swait.ge @!p0 [sflag:s0], s1  }
0x2c: {  	s1 =	ssub.s32 @!p0 $0x0, s1;
	[sflag:s0] =	ssyncset.done @!p0 $0x0  }
0x2d: {  	[sflag:s0] =	ssyncadd.s32 @!p0 s1  }
0x2e: {  	[bflag:$0x3] =	sbarrier.arrive $0xFFFF  }
0x2f: {  	_ =	shalt  }

</sc_bundles>
